<compile_context>
chip_gen: v7x
topology: tpu7x:2x2x1
jax: 0.10.2.dev20260603
libtpu: 0.0.44.dev20260713+nightly
codegen_flags: <defaults>
</compile_context>

<pallas_src>
import functools

import numpy as np
import jax
import jax.numpy as jnp
from jax import lax
from jax.experimental import pallas as pl
from jax.experimental.pallas import tpu as pltpu
from jax.experimental.pallas import tpu_sc as plsc

_ALPHA = 0.7
_EPS = 1e-06
_RB = 128
_CH = 64

_ROTS = ((13, 15, 26, 6), (17, 29, 16, 24), (13, 15, 26, 6),
         (17, 29, 16, 24), (13, 15, 26, 6))
_KS = (0, 42, (0x1BD11BDA ^ 42) & 0xFFFFFFFF)
_INJ = tuple(((_KS[(g + 1) % 3]) & 0xFFFFFFFF,
              (_KS[(g + 2) % 3] + g + 1) & 0xFFFFFFFF) for g in range(5))


def _i32c(v):
    v &= 0xFFFFFFFF
    return jnp.int32(v - (1 << 32) if v >= (1 << 31) else v)


def _srl(x, r):
    return lax.shift_right_logical(x, jnp.int32(r))


def _bits23(hi, lo):
    x0 = hi
    x1 = lo + _i32c(_KS[1])
    for g in range(5):
        for r in _ROTS[g]:
            x0 = x0 + x1
            x1 = ((x1 << jnp.int32(r)) | _srl(x1, 32 - r)) ^ x0
        a, b = _INJ[g]
        x0 = x0 + _i32c(a)
        x1 = x1 + _i32c(b)
    return _srl(x0 ^ x1, 9)


def _sampler_body(nchunks, lmax_ref, rowlo_ref, rowhi_ref, wrapj_ref, lt_ref,
                  idx_ref, m_scr, i_scr):
    tiny = jnp.float32(np.finfo(np.float32).tiny)
    lm = lmax_ref[0:1, 0:1]
    rlo = rowlo_ref[0]
    rhi = rowhi_ref[0]
    wj = wrapj_ref[0]
    m_scr[...] = jnp.full((1, _RB), -jnp.inf, jnp.float32)
    i_scr[...] = jnp.zeros((1, _RB), jnp.int32)
    col0 = lax.broadcasted_iota(jnp.int32, (_CH, _RB), 0)

    def chunk(c, carry):
        jcol = col0 + c * _CH
        lo = rlo + jcol
        hi = rhi + (jcol >= wj).astype(jnp.int32)
        m = _bits23(hi, lo)
        cmax_m = jnp.max(m, axis=0, keepdims=True)
        cur = m_scr[...]
        t2 = jnp.exp(-jnp.exp(lm - cur))
        mt = (t2 * jnp.float32(8388608.0 * (1.0 - 1e-5))
              - jnp.float32(16.0)).astype(jnp.int32)
        anycand = jnp.max((cmax_m > mt).astype(jnp.int32))

        @pl.when(anycand > 0)
        def _():
            f = lax.bitcast_convert_type(m | jnp.int32(0x3F800000),
                                         jnp.float32) - jnp.float32(1.0)
            u = jnp.maximum(f, tiny)
            g = -jnp.log(-jnp.log(u))
            s = g + lt_ref[c].reshape(_CH, 1)
            smax = jnp.max(s, axis=0, keepdims=True)
            cand = jnp.where(s == smax, jcol, jnp.int32(0x7FFFFFFF))
            sidx = jnp.min(cand, axis=0, keepdims=True)
            better = smax > m_scr[...]
            i_scr[...] = jnp.where(better, sidx, i_scr[...])
            m_scr[...] = jnp.where(better, smax, m_scr[...])

        return carry

    lax.fori_loop(0, nchunks, chunk, 0)
    idx_ref[0] = i_scr[...]


def _make_sampler(B, N, interpret=False):
    assert B % _RB == 0 and N % _CH == 0
    nblocks = B // _RB
    nchunks = N // _CH
    return pl.pallas_call(
        functools.partial(_sampler_body, nchunks),
        grid=(nblocks,),
        in_specs=[
            pl.BlockSpec((1, 1), lambda b: (0, 0)),
            pl.BlockSpec((1, 1, _RB), lambda b: (b, 0, 0)),
            pl.BlockSpec((1, 1, _RB), lambda b: (b, 0, 0)),
            pl.BlockSpec((1, 1, _RB), lambda b: (b, 0, 0)),
            pl.BlockSpec((nchunks, _CH), lambda b: (0, 0)),
        ],
        out_specs=pl.BlockSpec((1, 1, _RB), lambda b: (b, 0, 0)),
        out_shape=jax.ShapeDtypeStruct((nblocks, 1, _RB), jnp.int32),
        scratch_shapes=[
            pltpu.VMEM((1, _RB), jnp.float32),
            pltpu.VMEM((1, _RB), jnp.int32),
        ],
        interpret=interpret,
    )


def _row_counters(B, N):
    i = jnp.arange(B, dtype=jnp.int32)
    rowlo = i * jnp.int32(N)
    k = 1
    hi = jnp.zeros((B,), jnp.int32)
    while (k << 32) < B * N:
        hi = hi + (i >= ((k << 32) + N - 1) // N).astype(jnp.int32)
        k += 1
    neg = -rowlo
    wrapj = jnp.where((neg > 0) & (neg < N), neg, jnp.int32(2 * N))
    nb = B // _RB
    return (rowlo.reshape(nb, 1, _RB), hi.reshape(nb, 1, _RB),
            wrapj.reshape(nb, 1, _RB))


def _sample_indices(weights, B, interpret=False):
    N = weights.shape[0]
    w = weights + _EPS
    p = jnp.power(w, _ALPHA)
    probabilities = p / jnp.sum(p)
    logits = jnp.log(probabilities)
    lt = logits.reshape(N // _CH, _CH)
    lmax = jnp.max(logits).reshape(1, 1)
    rowlo, rowhi, wrapj = _row_counters(B, N)
    idx3 = _make_sampler(B, N, interpret=interpret)(lmax, rowlo, rowhi,
                                                    wrapj, lt)
    return idx3.reshape(B)


def _make_gather(V, D, B):
    info = plsc.get_sparse_core_info()
    nw = info.num_cores * info.num_subcores
    assert B % (8 * nw) == 0 and D % info.num_lanes == 0
    bw = B // nw
    mesh = plsc.VectorSubcoreMesh(core_axis_name="c", subcore_axis_name="s")

    @functools.partial(
        pl.kernel, mesh=mesh,
        out_type=jax.ShapeDtypeStruct((B, D), jnp.float32),
        scratch_types=[
            pltpu.VMEM((bw,), jnp.int32),
            pltpu.VMEM((bw, D), jnp.float32),
            pltpu.SemaphoreType.DMA,
        ],
    )
    def k(table_hbm, idx_hbm, out_hbm, idx_v, rows_v, sem):
        wid = lax.axis_index("s") * info.num_cores + lax.axis_index("c")
        base = wid * bw
        pltpu.sync_copy(idx_hbm.at[pl.ds(base, bw)], idx_v)
        pltpu.async_copy(table_hbm.at[idx_v], rows_v, sem).wait()
        pltpu.sync_copy(rows_v, out_hbm.at[pl.ds(base, bw)])

    return k


def kernel(states, actions, rewards, next_states, terminals, weights):
    N = states.shape[0]
    B = 16384
    idx = _sample_indices(weights, B)
    table = jnp.concatenate(
        [states, actions, rewards, next_states, terminals,
         jnp.zeros((N, 54), jnp.float32)], axis=1)
    out = _make_gather(N, 128, B)(table, idx)
    return (out[:, 0:32], out[:, 32:40], out[:, 40:41],
            out[:, 41:73], out[:, 73:74])

# --- scband reference (transcript-rebuilt; emitter-appended) ---
"""Pipeline reference for scband-replay-buffer-2173253452226 (READ-ONLY COPY).

The authoritative reference and input builder live on the scoring server;
editing this copy changes nothing except your own understanding.
"""

import jax, jax.numpy as jnp
import numpy as np

MAX_SIZE = 1000000
STATE = 32
ACTION = 8
BATCH = 16384
ALPHA = 0.7
EPS = 1e-06
START_IDX = 0


def setup_inputs(seed: int = 0) -> dict:
    key = jax.random.key(seed)
    ks = jax.random.split(key, 6)
    return {
        'states': jax.random.normal(ks[0], (MAX_SIZE, STATE), dtype=jnp.float32),
        'actions': jax.random.normal(ks[1], (MAX_SIZE, ACTION), dtype=jnp.float32),
        'rewards': jax.random.normal(ks[2], (MAX_SIZE, 1), dtype=jnp.float32),
        'next_states': jax.random.normal(ks[3], (MAX_SIZE, STATE), dtype=jnp.float32),
        'terminals': jax.random.uniform(ks[4], (MAX_SIZE, 1), dtype=jnp.float32),
        'weights': jax.random.uniform(ks[5], (MAX_SIZE,), dtype=jnp.float32),
    }


def reference(states, actions, rewards, next_states, terminals, weights):
    # sample(): weights += epsilon; probabilities = w**alpha / sum(w**alpha)
    w = weights + EPS
    p = jnp.power(w, ALPHA)
    probabilities = p / jnp.sum(p)
    # np.random.choice(size, batch, replace=True, p=probabilities)
    idxs = jax.random.categorical(jax.random.key(42), jnp.log(probabilities), shape=(BATCH,))
    # Buffer.sample: buffer[(start_idx + idxs) % max_size]
    g = (START_IDX + idxs) % MAX_SIZE
    s = jnp.take(states, g, axis=0)
    a = jnp.take(actions, g, axis=0)
    r = jnp.take(rewards, g, axis=0)
    ns = jnp.take(next_states, g, axis=0)
    t = jnp.take(terminals, g, axis=0)
    return (s, a, r, ns, t)

if __name__ == "__main__":
    import jax
    _d = setup_inputs()
    print(jax.jit(kernel)(*tuple(_d.values())))

</pallas_src>

<mosaic_0001>
#map = affine_map<(d0, d1) -> (0, 0)>
#map1 = affine_map<(d0, d1) -> (0)>
module attributes {stable_mosaic.version = 14 : i64} {
  func.func @k(%arg0: i32, %arg1: i32, %arg2: memref<1000000x128xf32, #tpu.memory_space<hbm>>, %arg3: memref<16384xi32, #tpu.memory_space<hbm>>, %arg4: memref<16384x128xf32, #tpu.memory_space<hbm>>, %arg5: memref<512xi32, #tpu.memory_space<vmem>>, %arg6: memref<512x128xf32, #tpu.memory_space<vmem>>, %arg7: memref<!tpu.dma_semaphore, #tpu.memory_space<semaphore_mem>>) attributes {dimension_semantics = [#tpu.dimension_semantics<core_parallel>, #tpu.dimension_semantics<subcore_parallel>], iteration_bounds = array<i64: 2, 16>, scalar_prefetch = 0 : i64, scratch_operands = 3 : i64, tpu.core_type = #tpu.core_type<sc_vector_subcore>, window_params = [{transform_indices = #map}, {transform_indices = #map1}, {transform_indices = #map}]} {
    %mul3A = arith.constant 2 : i32
    %mul3A_0 = arith.muli %arg1, %mul3A : i32
    %add3A = arith.addi %mul3A_0, %arg0 : i32
    %mul3A_1 = arith.constant 512 : i32
    %mul3A_2 = arith.muli %add3A, %mul3A_1 : i32
    "tpu.region"() ({
      %run_scoped3A = tpu.sem_alloc : memref<!tpu.dma_semaphore, #tpu.memory_space<semaphore_mem>>
      %dma_start3A_7 = tpu.memref_slice %arg3[%mul3A_2] : memref<16384xi32, #tpu.memory_space<hbm>> -> memref<512xi32, #tpu.memory_space<hbm>>
      %dma_start3A_8 = tpu.memref_slice %arg3[%mul3A_2] : memref<16384xi32, #tpu.memory_space<hbm>> -> memref<512xi32, #tpu.memory_space<hbm>>
      tpu.enqueue_dma source(%dma_start3A_8 : memref<512xi32, #tpu.memory_space<hbm>>) target(%arg5 : memref<512xi32, #tpu.memory_space<vmem>>) target_semaphore(%run_scoped3A : memref<!tpu.dma_semaphore, #tpu.memory_space<semaphore_mem>>)
      %dma_wait3A_9 = tpu.memref_slice %arg3[%mul3A_2] : memref<16384xi32, #tpu.memory_space<hbm>> -> memref<512xi32, #tpu.memory_space<hbm>>
      %dma_wait3A_10 = tpu.memref_slice %arg3[%mul3A_2] : memref<16384xi32, #tpu.memory_space<hbm>> -> memref<512xi32, #tpu.memory_space<hbm>>
      tpu.wait_dma2 semaphore(%run_scoped3A : memref<!tpu.dma_semaphore, #tpu.memory_space<semaphore_mem>>) src(%dma_wait3A_10 : memref<512xi32, #tpu.memory_space<hbm>>) dst(%arg5 : memref<512xi32, #tpu.memory_space<vmem>>)
      tpu.yield
    }) : () -> ()
    %dma_start3A = arith.constant 0 : i32
    %dma_start3A_3 = arith.constant 0 : i32
    %dma_start3A_4 = tpu.memref_slice %arg2[%dma_start3A, %dma_start3A_3] : memref<1000000x128xf32, #tpu.memory_space<hbm>> -> memref<1000000x128xf32, #tpu.memory_space<hbm>>
    tpu.enqueue_indirect_dma source(%dma_start3A_4 : memref<1000000x128xf32, #tpu.memory_space<hbm>>) target(%arg6 : memref<512x128xf32, #tpu.memory_space<vmem>>) offsets(%arg5 : memref<512xi32, #tpu.memory_space<vmem>>) semaphore(%arg7 : memref<!tpu.dma_semaphore, #tpu.memory_space<semaphore_mem>>)
    %dma_wait3A = arith.constant 0 : i32
    %dma_wait3A_5 = arith.constant 0 : i32
    %dma_wait3A_6 = tpu.memref_slice %arg2[%dma_wait3A, %dma_wait3A_5] : memref<1000000x128xf32, #tpu.memory_space<hbm>> -> memref<1000000x128xf32, #tpu.memory_space<hbm>>
    tpu.wait_indirect_dma semaphore(%arg7 : memref<!tpu.dma_semaphore, #tpu.memory_space<semaphore_mem>>) src(%dma_wait3A_6 : memref<1000000x128xf32, #tpu.memory_space<hbm>>) dst(%arg6 : memref<512x128xf32, #tpu.memory_space<vmem>>)
    "tpu.region"() ({
      %run_scoped3A = tpu.sem_alloc : memref<!tpu.dma_semaphore, #tpu.memory_space<semaphore_mem>>
      %dma_start3A_7 = arith.constant 0 : i32
      %dma_start3A_8 = tpu.memref_slice %arg4[%mul3A_2, %dma_start3A_7] : memref<16384x128xf32, #tpu.memory_space<hbm>> -> memref<512x128xf32, #tpu.memory_space<hbm>>
      %dma_start3A_9 = arith.constant 0 : i32
      %dma_start3A_10 = tpu.memref_slice %arg4[%mul3A_2, %dma_start3A_9] : memref<16384x128xf32, #tpu.memory_space<hbm>> -> memref<512x128xf32, #tpu.memory_space<hbm>>
      tpu.enqueue_dma source(%arg6 : memref<512x128xf32, #tpu.memory_space<vmem>>) target(%dma_start3A_10 : memref<512x128xf32, #tpu.memory_space<hbm>>) target_semaphore(%run_scoped3A : memref<!tpu.dma_semaphore, #tpu.memory_space<semaphore_mem>>)
      %dma_wait3A_11 = arith.constant 0 : i32
      %dma_wait3A_12 = tpu.memref_slice %arg4[%mul3A_2, %dma_wait3A_11] : memref<16384x128xf32, #tpu.memory_space<hbm>> -> memref<512x128xf32, #tpu.memory_space<hbm>>
      %dma_wait3A_13 = arith.constant 0 : i32
      %dma_wait3A_14 = tpu.memref_slice %arg4[%mul3A_2, %dma_wait3A_13] : memref<16384x128xf32, #tpu.memory_space<hbm>> -> memref<512x128xf32, #tpu.memory_space<hbm>>
      tpu.wait_dma2 semaphore(%run_scoped3A : memref<!tpu.dma_semaphore, #tpu.memory_space<semaphore_mem>>) src(%arg6 : memref<512x128xf32, #tpu.memory_space<vmem>>) dst(%dma_wait3A_14 : memref<512x128xf32, #tpu.memory_space<hbm>>)
      tpu.yield
    }) : () -> ()
    return
  }
}

module attributes {stable_mosaic.version = 14 : i64} {
  func.func @_sampler_body(%arg0: i32, %arg1: memref<1x1xf32, #tpu.memory_space<vmem>>, %arg2: memref<1x1x128xi32, #tpu.memory_space<vmem>>, %arg3: memref<1x1x128xi32, #tpu.memory_space<vmem>>, %arg4: memref<1x1x128xi32, #tpu.memory_space<vmem>>, %arg5: memref<15625x64xf32, #tpu.memory_space<vmem>>, %arg6: memref<1x1x128xi32, #tpu.memory_space<vmem>>, %arg7: memref<1x128xf32, #tpu.memory_space<vmem>>, %arg8: memref<1x128xi32, #tpu.memory_space<vmem>>) attributes {dimension_semantics = [#tpu.dimension_semantics<arbitrary>], iteration_bounds = array<i64: 128>, scalar_prefetch = 0 : i64, scratch_operands = 2 : i64, tpu.core_type = #tpu.core_type<tc>, window_params = [{pipeline_mode = #tpu.pipeline_mode<synchronous>, transform_indices = @transform_0, window_bounds = array<i64: 1, 1>}, {transform_indices = @transform_1, window_bounds = array<i64: 1, 1, 128>}, {transform_indices = @transform_2, window_bounds = array<i64: 1, 1, 128>}, {transform_indices = @transform_3, window_bounds = array<i64: 1, 1, 128>}, {pipeline_mode = #tpu.pipeline_mode<synchronous>, transform_indices = @transform_4, window_bounds = array<i64: 15625, 64>}, {transform_indices = @transform_5, window_bounds = array<i64: 1, 1, 128>}]} {
    %get3A = arith.constant 0 : index
    %get3A_0 = arith.constant 0 : index
    %get3A_1 = vector.load %arg1[%get3A, %get3A_0] : memref<1x1xf32, #tpu.memory_space<vmem>>, vector<1x1xf32>
    %get3A_2 = arith.constant 0 : index
    %get3A_3 = arith.constant 0 : index
    %get3A_4 = arith.constant 0 : index
    %get3A_5 = vector.load %arg2[%get3A_2, %get3A_3, %get3A_4] : memref<1x1x128xi32, #tpu.memory_space<vmem>>, vector<1x1x128xi32>
    %get3A_6 = vector.shape_cast %get3A_5 : vector<1x1x128xi32> to vector<1x128xi32>
    %get3A_7 = arith.constant 0 : index
    %get3A_8 = arith.constant 0 : index
    %get3A_9 = arith.constant 0 : index
    %get3A_10 = vector.load %arg3[%get3A_7, %get3A_8, %get3A_9] : memref<1x1x128xi32, #tpu.memory_space<vmem>>, vector<1x1x128xi32>
    %get3A_11 = vector.shape_cast %get3A_10 : vector<1x1x128xi32> to vector<1x128xi32>
    %get3A_12 = arith.constant 0 : index
    %get3A_13 = arith.constant 0 : index
    %get3A_14 = arith.constant 0 : index
    %get3A_15 = vector.load %arg4[%get3A_12, %get3A_13, %get3A_14] : memref<1x1x128xi32, #tpu.memory_space<vmem>>, vector<1x1x128xi32>
    %get3A_16 = vector.shape_cast %get3A_15 : vector<1x1x128xi32> to vector<1x128xi32>
    %broadcast_in_dim3A = arith.constant 0xFF800000 : f32
    %broadcast_in_dim3A_17 = vector.broadcast %broadcast_in_dim3A : f32 to vector<1x128xf32>
    %swap3A = arith.constant 0 : index
    %swap3A_18 = arith.constant 0 : index
    %swap3A_19 = vector.load %arg7[%swap3A, %swap3A_18] : memref<1x128xf32, #tpu.memory_space<vmem>>, vector<1x128xf32>
    tpu.vector_store %arg7[%swap3A, %swap3A_18], %broadcast_in_dim3A_17 {strides = array<i32>} : memref<1x128xf32, #tpu.memory_space<vmem>>, vector<1x128xf32>,
    %broadcast_in_dim3A_20 = arith.constant 0 : i32
    %broadcast_in_dim3A_21 = vector.broadcast %broadcast_in_dim3A_20 : i32 to vector<1x128xi32>
    %swap3A_22 = arith.constant 0 : index
    %swap3A_23 = arith.constant 0 : index
    %swap3A_24 = vector.load %arg8[%swap3A_22, %swap3A_23] : memref<1x128xi32, #tpu.memory_space<vmem>>, vector<1x128xi32>
    tpu.vector_store %arg8[%swap3A_22, %swap3A_23], %broadcast_in_dim3A_21 {strides = array<i32>} : memref<1x128xi32, #tpu.memory_space<vmem>>, vector<1x128xi32>,
    %iota3A = tpu.iota {dimensions = array<i32: 0>} : vector<64x128xi32>
    %scan3A = arith.constant 1.17549435E-38 : f32
    %scan3A_25 = arith.constant 0 : i32
    %scan3A_26 = arith.constant 15625 : i32
    %scan3A_27 = arith.addi %scan3A_25, %scan3A_26 : i32
    %scan3A_28 = arith.constant 1 : i32
    scf.for %scan3A_39 = %scan3A_25 to %scan3A_27 step %scan3A_28  : i32 {
      %mul3A = arith.constant 64 : i32
      %mul3A_40 = arith.muli %scan3A_39, %mul3A : i32
      %add3A = vector.broadcast %mul3A_40 : i32 to vector<64x128xi32>
      %add3A_41 = arith.addi %iota3A, %add3A : vector<64x128xi32>
      %add3A_42 = vector.broadcast %get3A_6 : vector<1x128xi32> to vector<64x128xi32>
      %add3A_43 = arith.addi %add3A_42, %add3A_41 : vector<64x128xi32>
      %ge3A = vector.broadcast %get3A_16 : vector<1x128xi32> to vector<64x128xi32>
      %ge3A_44 = arith.cmpi sge, %add3A_41, %ge3A : vector<64x128xi32>
      %convert_element_type3A = arith.extui %ge3A_44 : vector<64x128xi1> to vector<64x128xi32>
      %add3A_45 = vector.broadcast %get3A_11 : vector<1x128xi32> to vector<64x128xi32>
      %add3A_46 = arith.addi %add3A_45, %convert_element_type3A : vector<64x128xi32>
      %add3A_47 = arith.constant 42 : i32
      %add3A_48 = vector.broadcast %add3A_47 : i32 to vector<64x128xi32>
      %add3A_49 = arith.addi %add3A_43, %add3A_48 : vector<64x128xi32>
      %add3A_50 = arith.addi %add3A_46, %add3A_49 : vector<64x128xi32>
      %shift_left3A = arith.constant 13 : i32
      %shift_left3A_51 = vector.broadcast %shift_left3A : i32 to vector<64x128xi32>
      %shift_left3A_52 = arith.shli %add3A_49, %shift_left3A_51 : vector<64x128xi32>
      %shift_right_logical3A = arith.constant 19 : i32
      %shift_right_logical3A_53 = vector.broadcast %shift_right_logical3A : i32 to vector<64x128xi32>
      %shift_right_logical3A_54 = arith.shrui %add3A_49, %shift_right_logical3A_53 : vector<64x128xi32>
      %or3A = arith.ori %shift_left3A_52, %shift_right_logical3A_54 : vector<64x128xi32>
      %xor3A = arith.xori %or3A, %add3A_50 : vector<64x128xi32>
      %add3A_55 = arith.addi %add3A_50, %xor3A : vector<64x128xi32>
      %shift_left3A_56 = arith.constant 15 : i32
      %shift_left3A_57 = vector.broadcast %shift_left3A_56 : i32 to vector<64x128xi32>
      %shift_left3A_58 = arith.shli %xor3A, %shift_left3A_57 : vector<64x128xi32>
      %shift_right_logical3A_59 = arith.constant 17 : i32
      %shift_right_logical3A_60 = vector.broadcast %shift_right_logical3A_59 : i32 to vector<64x128xi32>
      %shift_right_logical3A_61 = arith.shrui %xor3A, %shift_right_logical3A_60 : vector<64x128xi32>
      %or3A_62 = arith.ori %shift_left3A_58, %shift_right_logical3A_61 : vector<64x128xi32>
      %xor3A_63 = arith.xori %or3A_62, %add3A_55 : vector<64x128xi32>
      %add3A_64 = arith.addi %add3A_55, %xor3A_63 : vector<64x128xi32>
      %shift_left3A_65 = arith.constant 26 : i32
      %shift_left3A_66 = vector.broadcast %shift_left3A_65 : i32 to vector<64x128xi32>
      %shift_left3A_67 = arith.shli %xor3A_63, %shift_left3A_66 : vector<64x128xi32>
      %shift_right_logical3A_68 = arith.constant 6 : i32
      %shift_right_logical3A_69 = vector.broadcast %shift_right_logical3A_68 : i32 to vector<64x128xi32>
      %shift_right_logical3A_70 = arith.shrui %xor3A_63, %shift_right_logical3A_69 : vector<64x128xi32>
      %or3A_71 = arith.ori %shift_left3A_67, %shift_right_logical3A_70 : vector<64x128xi32>
      %xor3A_72 = arith.xori %or3A_71, %add3A_64 : vector<64x128xi32>
      %add3A_73 = arith.addi %add3A_64, %xor3A_72 : vector<64x128xi32>
      %shift_left3A_74 = arith.constant 6 : i32
      %shift_left3A_75 = vector.broadcast %shift_left3A_74 : i32 to vector<64x128xi32>
      %shift_left3A_76 = arith.shli %xor3A_72, %shift_left3A_75 : vector<64x128xi32>
      %shift_right_logical3A_77 = arith.constant 26 : i32
      %shift_right_logical3A_78 = vector.broadcast %shift_right_logical3A_77 : i32 to vector<64x128xi32>
      %shift_right_logical3A_79 = arith.shrui %xor3A_72, %shift_right_logical3A_78 : vector<64x128xi32>
      %or3A_80 = arith.ori %shift_left3A_76, %shift_right_logical3A_79 : vector<64x128xi32>
      %xor3A_81 = arith.xori %or3A_80, %add3A_73 : vector<64x128xi32>
      %add3A_82 = arith.constant 42 : i32
      %add3A_83 = vector.broadcast %add3A_82 : i32 to vector<64x128xi32>
      %add3A_84 = arith.addi %add3A_73, %add3A_83 : vector<64x128xi32>
      %add3A_85 = arith.constant 466689009 : i32
      %add3A_86 = vector.broadcast %add3A_85 : i32 to vector<64x128xi32>
      %add3A_87 = arith.addi %xor3A_81, %add3A_86 : vector<64x128xi32>
      %add3A_88 = arith.addi %add3A_84, %add3A_87 : vector<64x128xi32>
      %shift_left3A_89 = arith.constant 17 : i32
      %shift_left3A_90 = vector.broadcast %shift_left3A_89 : i32 to vector<64x128xi32>
      %shift_left3A_91 = arith.shli %add3A_87, %shift_left3A_90 : vector<64x128xi32>
      %shift_right_logical3A_92 = arith.constant 15 : i32
      %shift_right_logical3A_93 = vector.broadcast %shift_right_logical3A_92 : i32 to vector<64x128xi32>
      %shift_right_logical3A_94 = arith.shrui %add3A_87, %shift_right_logical3A_93 : vector<64x128xi32>
      %or3A_95 = arith.ori %shift_left3A_91, %shift_right_logical3A_94 : vector<64x128xi32>
      %xor3A_96 = arith.xori %or3A_95, %add3A_88 : vector<64x128xi32>
      %add3A_97 = arith.addi %add3A_88, %xor3A_96 : vector<64x128xi32>
      %shift_left3A_98 = arith.constant 29 : i32
      %shift_left3A_99 = vector.broadcast %shift_left3A_98 : i32 to vector<64x128xi32>
      %shift_left3A_100 = arith.shli %xor3A_96, %shift_left3A_99 : vector<64x128xi32>
      %shift_right_logical3A_101 = arith.constant 3 : i32
      %shift_right_logical3A_102 = vector.broadcast %shift_right_logical3A_101 : i32 to vector<64x128xi32>
      %shift_right_logical3A_103 = arith.shrui %xor3A_96, %shift_right_logical3A_102 : vector<64x128xi32>
      %or3A_104 = arith.ori %shift_left3A_100, %shift_right_logical3A_103 : vector<64x128xi32>
      %xor3A_105 = arith.xori %or3A_104, %add3A_97 : vector<64x128xi32>
      %add3A_106 = arith.addi %add3A_97, %xor3A_105 : vector<64x128xi32>
      %shift_left3A_107 = arith.constant 16 : i32
      %shift_left3A_108 = vector.broadcast %shift_left3A_107 : i32 to vector<64x128xi32>
      %shift_left3A_109 = arith.shli %xor3A_105, %shift_left3A_108 : vector<64x128xi32>
      %shift_right_logical3A_110 = arith.constant 16 : i32
      %shift_right_logical3A_111 = vector.broadcast %shift_right_logical3A_110 : i32 to vector<64x128xi32>
      %shift_right_logical3A_112 = arith.shrui %xor3A_105, %shift_right_logical3A_111 : vector<64x128xi32>
      %or3A_113 = arith.ori %shift_left3A_109, %shift_right_logical3A_112 : vector<64x128xi32>
      %xor3A_114 = arith.xori %or3A_113, %add3A_106 : vector<64x128xi32>
      %add3A_115 = arith.addi %add3A_106, %xor3A_114 : vector<64x128xi32>
      %shift_left3A_116 = arith.constant 24 : i32
      %shift_left3A_117 = vector.broadcast %shift_left3A_116 : i32 to vector<64x128xi32>
      %shift_left3A_118 = arith.shli %xor3A_114, %shift_left3A_117 : vector<64x128xi32>
      %shift_right_logical3A_119 = arith.constant 8 : i32
      %shift_right_logical3A_120 = vector.broadcast %shift_right_logical3A_119 : i32 to vector<64x128xi32>
      %shift_right_logical3A_121 = arith.shrui %xor3A_114, %shift_right_logical3A_120 : vector<64x128xi32>
      %or3A_122 = arith.ori %shift_left3A_118, %shift_right_logical3A_121 : vector<64x128xi32>
      %xor3A_123 = arith.xori %or3A_122, %add3A_115 : vector<64x128xi32>
      %add3A_124 = arith.constant 466689008 : i32
      %add3A_125 = vector.broadcast %add3A_124 : i32 to vector<64x128xi32>
      %add3A_126 = arith.addi %add3A_115, %add3A_125 : vector<64x128xi32>
      %add3A_127 = arith.constant 2 : i32
      %add3A_128 = vector.broadcast %add3A_127 : i32 to vector<64x128xi32>
      %add3A_129 = arith.addi %xor3A_123, %add3A_128 : vector<64x128xi32>
      %add3A_130 = arith.addi %add3A_126, %add3A_129 : vector<64x128xi32>
      %shift_left3A_131 = arith.constant 13 : i32
      %shift_left3A_132 = vector.broadcast %shift_left3A_131 : i32 to vector<64x128xi32>
      %shift_left3A_133 = arith.shli %add3A_129, %shift_left3A_132 : vector<64x128xi32>
      %shift_right_logical3A_134 = arith.constant 19 : i32
      %shift_right_logical3A_135 = vector.broadcast %shift_right_logical3A_134 : i32 to vector<64x128xi32>
      %shift_right_logical3A_136 = arith.shrui %add3A_129, %shift_right_logical3A_135 : vector<64x128xi32>
      %or3A_137 = arith.ori %shift_left3A_133, %shift_right_logical3A_136 : vector<64x128xi32>
      %xor3A_138 = arith.xori %or3A_137, %add3A_130 : vector<64x128xi32>
      %add3A_139 = arith.addi %add3A_130, %xor3A_138 : vector<64x128xi32>
      %shift_left3A_140 = arith.constant 15 : i32
      %shift_left3A_141 = vector.broadcast %shift_left3A_140 : i32 to vector<64x128xi32>
      %shift_left3A_142 = arith.shli %xor3A_138, %shift_left3A_141 : vector<64x128xi32>
      %shift_right_logical3A_143 = arith.constant 17 : i32
      %shift_right_logical3A_144 = vector.broadcast %shift_right_logical3A_143 : i32 to vector<64x128xi32>
      %shift_right_logical3A_145 = arith.shrui %xor3A_138, %shift_right_logical3A_144 : vector<64x128xi32>
      %or3A_146 = arith.ori %shift_left3A_142, %shift_right_logical3A_145 : vector<64x128xi32>
      %xor3A_147 = arith.xori %or3A_146, %add3A_139 : vector<64x128xi32>
      %add3A_148 = arith.addi %add3A_139, %xor3A_147 : vector<64x128xi32>
      %shift_left3A_149 = arith.constant 26 : i32
      %shift_left3A_150 = vector.broadcast %shift_left3A_149 : i32 to vector<64x128xi32>
      %shift_left3A_151 = arith.shli %xor3A_147, %shift_left3A_150 : vector<64x128xi32>
      %shift_right_logical3A_152 = arith.constant 6 : i32
      %shift_right_logical3A_153 = vector.broadcast %shift_right_logical3A_152 : i32 to vector<64x128xi32>
      %shift_right_logical3A_154 = arith.shrui %xor3A_147, %shift_right_logical3A_153 : vector<64x128xi32>
      %or3A_155 = arith.ori %shift_left3A_151, %shift_right_logical3A_154 : vector<64x128xi32>
      %xor3A_156 = arith.xori %or3A_155, %add3A_148 : vector<64x128xi32>
      %add3A_157 = arith.addi %add3A_148, %xor3A_156 : vector<64x128xi32>
      %shift_left3A_158 = arith.constant 6 : i32
      %shift_left3A_159 = vector.broadcast %shift_left3A_158 : i32 to vector<64x128xi32>
      %shift_left3A_160 = arith.shli %xor3A_156, %shift_left3A_159 : vector<64x128xi32>
      %shift_right_logical3A_161 = arith.constant 26 : i32
      %shift_right_logical3A_162 = vector.broadcast %shift_right_logical3A_161 : i32 to vector<64x128xi32>
      %shift_right_logical3A_163 = arith.shrui %xor3A_156, %shift_right_logical3A_162 : vector<64x128xi32>
      %or3A_164 = arith.ori %shift_left3A_160, %shift_right_logical3A_163 : vector<64x128xi32>
      %xor3A_165 = arith.xori %or3A_164, %add3A_157 : vector<64x128xi32>
      %add3A_166 = arith.constant 0 : i32
      %add3A_167 = vector.broadcast %add3A_166 : i32 to vector<64x128xi32>
      %add3A_168 = arith.addi %add3A_157, %add3A_167 : vector<64x128xi32>
      %add3A_169 = arith.constant 45 : i32
      %add3A_170 = vector.broadcast %add3A_169 : i32 to vector<64x128xi32>
      %add3A_171 = arith.addi %xor3A_165, %add3A_170 : vector<64x128xi32>
      %add3A_172 = arith.addi %add3A_168, %add3A_171 : vector<64x128xi32>
      %shift_left3A_173 = arith.constant 17 : i32
      %shift_left3A_174 = vector.broadcast %shift_left3A_173 : i32 to vector<64x128xi32>
      %shift_left3A_175 = arith.shli %add3A_171, %shift_left3A_174 : vector<64x128xi32>
      %shift_right_logical3A_176 = arith.constant 15 : i32
      %shift_right_logical3A_177 = vector.broadcast %shift_right_logical3A_176 : i32 to vector<64x128xi32>
      %shift_right_logical3A_178 = arith.shrui %add3A_171, %shift_right_logical3A_177 : vector<64x128xi32>
      %or3A_179 = arith.ori %shift_left3A_175, %shift_right_logical3A_178 : vector<64x128xi32>
      %xor3A_180 = arith.xori %or3A_179, %add3A_172 : vector<64x128xi32>
      %add3A_181 = arith.addi %add3A_172, %xor3A_180 : vector<64x128xi32>
      %shift_left3A_182 = arith.constant 29 : i32
      %shift_left3A_183 = vector.broadcast %shift_left3A_182 : i32 to vector<64x128xi32>
      %shift_left3A_184 = arith.shli %xor3A_180, %shift_left3A_183 : vector<64x128xi32>
      %shift_right_logical3A_185 = arith.constant 3 : i32
      %shift_right_logical3A_186 = vector.broadcast %shift_right_logical3A_185 : i32 to vector<64x128xi32>
      %shift_right_logical3A_187 = arith.shrui %xor3A_180, %shift_right_logical3A_186 : vector<64x128xi32>
      %or3A_188 = arith.ori %shift_left3A_184, %shift_right_logical3A_187 : vector<64x128xi32>
      %xor3A_189 = arith.xori %or3A_188, %add3A_181 : vector<64x128xi32>
      %add3A_190 = arith.addi %add3A_181, %xor3A_189 : vector<64x128xi32>
      %shift_left3A_191 = arith.constant 16 : i32
      %shift_left3A_192 = vector.broadcast %shift_left3A_191 : i32 to vector<64x128xi32>
      %shift_left3A_193 = arith.shli %xor3A_189, %shift_left3A_192 : vector<64x128xi32>
      %shift_right_logical3A_194 = arith.constant 16 : i32
      %shift_right_logical3A_195 = vector.broadcast %shift_right_logical3A_194 : i32 to vector<64x128xi32>
      %shift_right_logical3A_196 = arith.shrui %xor3A_189, %shift_right_logical3A_195 : vector<64x128xi32>
      %or3A_197 = arith.ori %shift_left3A_193, %shift_right_logical3A_196 : vector<64x128xi32>
      %xor3A_198 = arith.xori %or3A_197, %add3A_190 : vector<64x128xi32>
      %add3A_199 = arith.addi %add3A_190, %xor3A_198 : vector<64x128xi32>
      %shift_left3A_200 = arith.constant 24 : i32
      %shift_left3A_201 = vector.broadcast %shift_left3A_200 : i32 to vector<64x128xi32>
      %shift_left3A_202 = arith.shli %xor3A_198, %shift_left3A_201 : vector<64x128xi32>
      %shift_right_logical3A_203 = arith.constant 8 : i32
      %shift_right_logical3A_204 = vector.broadcast %shift_right_logical3A_203 : i32 to vector<64x128xi32>
      %shift_right_logical3A_205 = arith.shrui %xor3A_198, %shift_right_logical3A_204 : vector<64x128xi32>
      %or3A_206 = arith.ori %shift_left3A_202, %shift_right_logical3A_205 : vector<64x128xi32>
      %xor3A_207 = arith.xori %or3A_206, %add3A_199 : vector<64x128xi32>
      %add3A_208 = arith.constant 42 : i32
      %add3A_209 = vector.broadcast %add3A_208 : i32 to vector<64x128xi32>
      %add3A_210 = arith.addi %add3A_199, %add3A_209 : vector<64x128xi32>
      %add3A_211 = arith.constant 466689012 : i32
      %add3A_212 = vector.broadcast %add3A_211 : i32 to vector<64x128xi32>
      %add3A_213 = arith.addi %xor3A_207, %add3A_212 : vector<64x128xi32>
      %add3A_214 = arith.addi %add3A_210, %add3A_213 : vector<64x128xi32>
      %shift_left3A_215 = arith.constant 13 : i32
      %shift_left3A_216 = vector.broadcast %shift_left3A_215 : i32 to vector<64x128xi32>
      %shift_left3A_217 = arith.shli %add3A_213, %shift_left3A_216 : vector<64x128xi32>
      %shift_right_logical3A_218 = arith.constant 19 : i32
      %shift_right_logical3A_219 = vector.broadcast %shift_right_logical3A_218 : i32 to vector<64x128xi32>
      %shift_right_logical3A_220 = arith.shrui %add3A_213, %shift_right_logical3A_219 : vector<64x128xi32>
      %or3A_221 = arith.ori %shift_left3A_217, %shift_right_logical3A_220 : vector<64x128xi32>
      %xor3A_222 = arith.xori %or3A_221, %add3A_214 : vector<64x128xi32>
      %add3A_223 = arith.addi %add3A_214, %xor3A_222 : vector<64x128xi32>
      %shift_left3A_224 = arith.constant 15 : i32
      %shift_left3A_225 = vector.broadcast %shift_left3A_224 : i32 to vector<64x128xi32>
      %shift_left3A_226 = arith.shli %xor3A_222, %shift_left3A_225 : vector<64x128xi32>
      %shift_right_logical3A_227 = arith.constant 17 : i32
      %shift_right_logical3A_228 = vector.broadcast %shift_right_logical3A_227 : i32 to vector<64x128xi32>
      %shift_right_logical3A_229 = arith.shrui %xor3A_222, %shift_right_logical3A_228 : vector<64x128xi32>
      %or3A_230 = arith.ori %shift_left3A_226, %shift_right_logical3A_229 : vector<64x128xi32>
      %xor3A_231 = arith.xori %or3A_230, %add3A_223 : vector<64x128xi32>
      %add3A_232 = arith.addi %add3A_223, %xor3A_231 : vector<64x128xi32>
      %shift_left3A_233 = arith.constant 26 : i32
      %shift_left3A_234 = vector.broadcast %shift_left3A_233 : i32 to vector<64x128xi32>
      %shift_left3A_235 = arith.shli %xor3A_231, %shift_left3A_234 : vector<64x128xi32>
      %shift_right_logical3A_236 = arith.constant 6 : i32
      %shift_right_logical3A_237 = vector.broadcast %shift_right_logical3A_236 : i32 to vector<64x128xi32>
      %shift_right_logical3A_238 = arith.shrui %xor3A_231, %shift_right_logical3A_237 : vector<64x128xi32>
      %or3A_239 = arith.ori %shift_left3A_235, %shift_right_logical3A_238 : vector<64x128xi32>
      %xor3A_240 = arith.xori %or3A_239, %add3A_232 : vector<64x128xi32>
      %add3A_241 = arith.addi %add3A_232, %xor3A_240 : vector<64x128xi32>
      %shift_left3A_242 = arith.constant 6 : i32
      %shift_left3A_243 = vector.broadcast %shift_left3A_242 : i32 to vector<64x128xi32>
      %shift_left3A_244 = arith.shli %xor3A_240, %shift_left3A_243 : vector<64x128xi32>
      %shift_right_logical3A_245 = arith.constant 26 : i32
      %shift_right_logical3A_246 = vector.broadcast %shift_right_logical3A_245 : i32 to vector<64x128xi32>
      %shift_right_logical3A_247 = arith.shrui %xor3A_240, %shift_right_logical3A_246 : vector<64x128xi32>
      %or3A_248 = arith.ori %shift_left3A_244, %shift_right_logical3A_247 : vector<64x128xi32>
      %xor3A_249 = arith.xori %or3A_248, %add3A_241 : vector<64x128xi32>
      %add3A_250 = arith.constant 466689008 : i32
      %add3A_251 = vector.broadcast %add3A_250 : i32 to vector<64x128xi32>
      %add3A_252 = arith.addi %add3A_241, %add3A_251 : vector<64x128xi32>
      %add3A_253 = arith.constant 5 : i32
      %add3A_254 = vector.broadcast %add3A_253 : i32 to vector<64x128xi32>
      %add3A_255 = arith.addi %xor3A_249, %add3A_254 : vector<64x128xi32>
      %xor3A_256 = arith.xori %add3A_252, %add3A_255 : vector<64x128xi32>
      %shift_right_logical3A_257 = arith.constant 9 : i32
      %shift_right_logical3A_258 = vector.broadcast %shift_right_logical3A_257 : i32 to vector<64x128xi32>
      %shift_right_logical3A_259 = arith.shrui %xor3A_256, %shift_right_logical3A_258 : vector<64x128xi32>
      %reduce_max3A = arith.constant dense<-2147483648> : vector<128xi32>
      %reduce_max3A_260 = vector.multi_reduction <maxsi>, %shift_right_logical3A_259, %reduce_max3A [0] : vector<64x128xi32> to vector<128xi32>
      %broadcast_in_dim3A_261 = vector.shape_cast %reduce_max3A_260 : vector<128xi32> to vector<1x128xi32>
      %get3A_262 = arith.constant 0 : index
      %get3A_263 = arith.constant 0 : index
      %get3A_264 = vector.load %arg7[%get3A_262, %get3A_263] : memref<1x128xf32, #tpu.memory_space<vmem>>, vector<1x128xf32>
      %sub3A = vector.broadcast %get3A_1 : vector<1x1xf32> to vector<1x128xf32>
      %sub3A_265 = arith.subf %sub3A, %get3A_264 : vector<1x128xf32>
      %exp3A = math.exp %sub3A_265 : vector<1x128xf32>
      %neg3A = arith.constant 0.000000e+00 : f32
      %neg3A_266 = vector.broadcast %neg3A : f32 to vector<1x128xf32>
      %neg3A_267 = arith.subf %neg3A_266, %exp3A : vector<1x128xf32>
      %exp3A_268 = math.exp %neg3A_267 : vector<1x128xf32>
      %mul3A_269 = arith.constant 0x4AFFFF58 : f32
      %mul3A_270 = vector.broadcast %mul3A_269 : f32 to vector<1x128xf32>
      %mul3A_271 = arith.mulf %exp3A_268, %mul3A_270 : vector<1x128xf32>
      %sub3A_272 = arith.constant 1.600000e+01 : f32
      %sub3A_273 = vector.broadcast %sub3A_272 : f32 to vector<1x128xf32>
      %sub3A_274 = arith.subf %mul3A_271, %sub3A_273 : vector<1x128xf32>
      %convert_element_type3A_275 = arith.fptosi %sub3A_274 : vector<1x128xf32> to vector<1x128xi32>
      %gt3A = arith.cmpi sgt, %broadcast_in_dim3A_261, %convert_element_type3A_275 : vector<1x128xi32>
      %convert_element_type3A_276 = arith.extui %gt3A : vector<1x128xi1> to vector<1x128xi32>
      %reduce_max3A_277 = vector.shape_cast %convert_element_type3A_276 : vector<1x128xi32> to vector<1x1x128xi32>
      %reduce_max3A_278 = arith.constant dense<-2147483648> : vector<1xi32>
      %reduce_max3A_279 = vector.multi_reduction <maxsi>, %reduce_max3A_277, %reduce_max3A_278 [1, 2] : vector<1x1x128xi32> to vector<1xi32>
      %reduce_max3A_280 = vector.shape_cast %reduce_max3A_279 : vector<1xi32> to vector<1x1x1xi32>
      %reduce_max3A_281 = vector.extract %reduce_max3A_280[0, 0, 0] : i32 from vector<1x1x1xi32>
      %gt3A_282 = arith.constant 0 : i32
      %gt3A_283 = arith.cmpi sgt, %reduce_max3A_281, %gt3A_282 : i32
      %convert_element_type3A_284 = arith.extui %gt3A_283 : i1 to i32
      %cond3A = arith.constant 0 : i32
      %cond3A_285 = arith.cmpi ne, %convert_element_type3A_284, %cond3A : i32
      scf.if %cond3A_285 {
        %or3A_286 = arith.constant 1065353216 : i32
        %or3A_287 = vector.broadcast %or3A_286 : i32 to vector<64x128xi32>
        %or3A_288 = arith.ori %shift_right_logical3A_259, %or3A_287 : vector<64x128xi32>
        %bitcast_convert_type3A = tpu.bitcast %or3A_288 : vector<64x128xi32> -> vector<64x128xf32>
        %sub3A_289 = arith.constant 1.000000e+00 : f32
        %sub3A_290 = vector.broadcast %sub3A_289 : f32 to vector<64x128xf32>
        %sub3A_291 = arith.subf %bitcast_convert_type3A, %sub3A_290 : vector<64x128xf32>
        %max3A = vector.broadcast %scan3A : f32 to vector<64x128xf32>
        %max3A_292 = arith.maximumf %sub3A_291, %max3A : vector<64x128xf32>
        %log3A = math.log %max3A_292 : vector<64x128xf32>
        %neg3A_293 = arith.constant 0.000000e+00 : f32
        %neg3A_294 = vector.broadcast %neg3A_293 : f32 to vector<64x128xf32>
        %neg3A_295 = arith.subf %neg3A_294, %log3A : vector<64x128xf32>
        %log3A_296 = math.log %neg3A_295 : vector<64x128xf32>
        %neg3A_297 = arith.constant 0.000000e+00 : f32
        %neg3A_298 = vector.broadcast %neg3A_297 : f32 to vector<64x128xf32>
        %neg3A_299 = arith.subf %neg3A_298, %log3A_296 : vector<64x128xf32>
        %get3A_300 = arith.index_cast %scan3A_39 : i32 to index
        %get3A_301 = arith.constant 0 : index
        %get3A_302 = vector.load %arg5[%get3A_300, %get3A_301] : memref<15625x64xf32, #tpu.memory_space<vmem>>, vector<1x64xf32>
        %get3A_303 = vector.shape_cast %get3A_302 : vector<1x64xf32> to vector<64xf32>
        %reshape3A = vector.shape_cast %get3A_303 : vector<64xf32> to vector<64x1xf32>
        %add3A_304 = vector.broadcast %reshape3A : vector<64x1xf32> to vector<64x128xf32>
        %add3A_305 = arith.addf %neg3A_299, %add3A_304 : vector<64x128xf32>
        %reduce_max3A_306 = arith.constant dense<0xFF800000> : vector<128xf32>
        %reduce_max3A_307 = vector.multi_reduction <maximumf>, %add3A_305, %reduce_max3A_306 [0] : vector<64x128xf32> to vector<128xf32>
        %broadcast_in_dim3A_308 = vector.shape_cast %reduce_max3A_307 : vector<128xf32> to vector<1x128xf32>
        %eq3A = vector.broadcast %broadcast_in_dim3A_308 : vector<1x128xf32> to vector<64x128xf32>
        %eq3A_309 = arith.cmpf oeq, %add3A_305, %eq3A : vector<64x128xf32>
        %jit3A = arith.constant 2147483647 : i32
        %broadcast_in_dim3A_310 = vector.broadcast %jit3A : i32 to vector<64x128xi32>
        %select_n3A = arith.select %eq3A_309, %add3A_41, %broadcast_in_dim3A_310 : vector<64x128xi1>, vector<64x128xi32>
        %reduce_min3A = arith.constant dense<2147483647> : vector<128xi32>
        %reduce_min3A_311 = vector.multi_reduction <minsi>, %select_n3A, %reduce_min3A [0] : vector<64x128xi32> to vector<128xi32>
        %broadcast_in_dim3A_312 = vector.shape_cast %reduce_min3A_311 : vector<128xi32> to vector<1x128xi32>
        %get3A_313 = arith.constant 0 : index
        %get3A_314 = arith.constant 0 : index
        %get3A_315 = vector.load %arg7[%get3A_313, %get3A_314] : memref<1x128xf32, #tpu.memory_space<vmem>>, vector<1x128xf32>
        %gt3A_316 = arith.cmpf ogt, %broadcast_in_dim3A_308, %get3A_315 : vector<1x128xf32>
        %get3A_317 = arith.constant 0 : index
        %get3A_318 = arith.constant 0 : index
        %get3A_319 = vector.load %arg8[%get3A_317, %get3A_318] : memref<1x128xi32, #tpu.memory_space<vmem>>, vector<1x128xi32>
        %select_n3A_320 = arith.select %gt3A_316, %broadcast_in_dim3A_312, %get3A_319 : vector<1x128xi1>, vector<1x128xi32>
        %swap3A_321 = arith.constant 0 : index
        %swap3A_322 = arith.constant 0 : index
        %swap3A_323 = vector.load %arg8[%swap3A_321, %swap3A_322] : memref<1x128xi32, #tpu.memory_space<vmem>>, vector<1x128xi32>
        tpu.vector_store %arg8[%swap3A_321, %swap3A_322], %select_n3A_320 {strides = array<i32>} : memref<1x128xi32, #tpu.memory_space<vmem>>, vector<1x128xi32>,
        %get3A_324 = arith.constant 0 : index
        %get3A_325 = arith.constant 0 : index
        %get3A_326 = vector.load %arg7[%get3A_324, %get3A_325] : memref<1x128xf32, #tpu.memory_space<vmem>>, vector<1x128xf32>
        %select_n3A_327 = arith.select %gt3A_316, %broadcast_in_dim3A_308, %get3A_326 : vector<1x128xi1>, vector<1x128xf32>
        %swap3A_328 = arith.constant 0 : index
        %swap3A_329 = arith.constant 0 : index
        %swap3A_330 = vector.load %arg7[%swap3A_328, %swap3A_329] : memref<1x128xf32, #tpu.memory_space<vmem>>, vector<1x128xf32>
        tpu.vector_store %arg7[%swap3A_328, %swap3A_329], %select_n3A_327 {strides = array<i32>} : memref<1x128xf32, #tpu.memory_space<vmem>>, vector<1x128xf32>,
      } else {
      }
    }
    %scan3A_29 = arith.constant 15625 : i32
    %get3A_30 = arith.constant 0 : index
    %get3A_31 = arith.constant 0 : index
    %get3A_32 = vector.load %arg8[%get3A_30, %get3A_31] : memref<1x128xi32, #tpu.memory_space<vmem>>, vector<1x128xi32>
    %swap3A_33 = arith.constant 0 : index
    %swap3A_34 = arith.constant 0 : index
    %swap3A_35 = arith.constant 0 : index
    %swap3A_36 = vector.load %arg6[%swap3A_33, %swap3A_34, %swap3A_35] : memref<1x1x128xi32, #tpu.memory_space<vmem>>, vector<1x1x128xi32>
    %swap3A_37 = vector.shape_cast %swap3A_36 : vector<1x1x128xi32> to vector<1x128xi32>
    %swap3A_38 = vector.shape_cast %get3A_32 : vector<1x128xi32> to vector<1x1x128xi32>
    tpu.vector_store %arg6[%swap3A_33, %swap3A_34, %swap3A_35], %swap3A_38 {strides = array<i32>} : memref<1x1x128xi32, #tpu.memory_space<vmem>>, vector<1x1x128xi32>,
    return
  }
  func.func @transform_0(%arg0: i32) -> (i32, i32) {
    %c0_i32 = arith.constant 0 : i32
    %c0_i32_0 = arith.constant 0 : i32
    %c0_i32_1 = arith.constant 0 : i32
    return %c0_i32, %c0_i32_0 : i32, i32
  }
  func.func @transform_1(%arg0: i32) -> (i32, i32, i32) {
    %c0_i32 = arith.constant 0 : i32
    %c0_i32_0 = arith.constant 0 : i32
    %c0_i32_1 = arith.constant 0 : i32
    return %arg0, %c0_i32, %c0_i32_0 : i32, i32, i32
  }
  func.func @transform_2(%arg0: i32) -> (i32, i32, i32) {
    %c0_i32 = arith.constant 0 : i32
    %c0_i32_0 = arith.constant 0 : i32
    %c0_i32_1 = arith.constant 0 : i32
    return %arg0, %c0_i32, %c0_i32_0 : i32, i32, i32
  }
  func.func @transform_3(%arg0: i32) -> (i32, i32, i32) {
    %c0_i32 = arith.constant 0 : i32
    %c0_i32_0 = arith.constant 0 : i32
    %c0_i32_1 = arith.constant 0 : i32
    return %arg0, %c0_i32, %c0_i32_0 : i32, i32, i32
  }
  func.func @transform_4(%arg0: i32) -> (i32, i32) {
    %c0_i32 = arith.constant 0 : i32
    %c0_i32_0 = arith.constant 0 : i32
    %c0_i32_1 = arith.constant 0 : i32
    return %c0_i32, %c0_i32_0 : i32, i32
  }
  func.func @transform_5(%arg0: i32) -> (i32, i32, i32) {
    %c0_i32 = arith.constant 0 : i32
    %c0_i32_0 = arith.constant 0 : i32
    %c0_i32_1 = arith.constant 0 : i32
    return %arg0, %c0_i32, %c0_i32_0 : i32, i32, i32
  }
}

</mosaic_0001>

<sc_bundles>
// kernel: kernel.4.cloned.1.call-start
scs
__scs_entry_jumppad:
0x0: {  	(pc) =	sbr.rel $0x88, $3  }
0x1: {  	(tag) =	ssettag $0x0;
	lr =	simm.s32 $0x1  }
0x2: {  	[smem:$0x3F9B] =	sst lr;
	_ =	strace $0xD0000000  }
0x3: {  	_ = 	snop  }
0x4: {  	_ = 	snop  }
0x5: {  	_ = 	snop  }
0x6: {  	_ = 	snop  }
0x7: {  	_ = 	snop  }
__scs_overlays_trampoline_lowered:
0x8: {  	[smem:$0x3FAA] =	sst s0  }
0x9: {  	[smem:$0x3FAB] =	sst s1  }
0xa: {  	[smem:$0x3FAC] =	sst s2  }
0xb: {  	[smem:$0x3FAD] =	sst s3  }
0xc: {  	[smem:$0x3FAE] =	sst s4  }
0xd: {  	[smem:$0x3FAF] =	sst s5  }
0xe: {  	[smem:$0x3FB0] =	sst s6  }
0xf: {  	[smem:$0x3FB1] =	sst s7  }
0x10: {  	[smem:$0x3FB2] =	sst s8  }
0x11: {  	[smem:$0x3FB3] =	sst s9;
	s0 =	simm.s32 @!p0 $0x0  }
0x12: {  	s1 =	sld [smem:$0x3F99];
	s0 =	simm.s32 @p0 $0x1  }
0x13: {  	[smem:$0x3FB4] =	sst s0;
	s0 =	simm.s32 @!p1 $0x0  }
0x14: {  	s2 =	sld [smem:$0x3F98];
	s0 =	simm.s32 @p1 $0x1  }
0x15: {  	[smem:$0x3FB5] =	sst s0;
	s0 =	simm.s32 @!p2 $0x0  }
0x16: {  	s3 =	sld [smem:$0x3FDB];
	s0 =	simm.s32 @p2 $0x1  }
0x17: {  	s4 =	simm.s32 $0x1BF5;
	[smem:$0x3FB7] =	sst s0  }
0x18: {  	s0 =	sld [smem:$0x3F9A];
	_ =	swait.ge [sflag:s4], $0x0  }
0x19: {  	s7 =	sld [smem:$0x3F9B]  }
0x1a: {  	s8 =	sadd.s32 $0xFFFFE003, lr  }
0x1b: {  	s9 =	sadd.s32 $0xFFFFFEF7, lr;
	s5 =	simm.s32 $0xFFFFFFFF;
	p2 =	slt.u32 s8, $0xFFFFF086  }
0x1c: {  	p1 =	slt.u32 s9, $0xF7A;
	s5 =	simm.s32 @!p2 $0x0  }
0x1d: {  	s5 =	simm.s32 @p1 $0x1;
	p0 =	seq.s32 s7, s2  }
0x1e: {  	s7 =	smul.u32 @!p0 $0xF7A, s2;
	p2 =	seq.s32 @!p0 s5, $0x0  }
0x1f: {  	s9 =	smul.u32 $0xF7A, s1;
	s8 =	simm.s32 @!p0 $0x1BF5;
	p2 =	por !p2, p0  }
0x20: {  	[sflag:s8] =	ssyncset.s32 @!p0 $0xFFFFF086;
	s6 =	sadd.s32 @!p0 s3, s7;
	s7 =	simm.s32 @!p0 $0x108  }
0x21: {  	s3 =	sadd.s32 s3, s9;
	s6 =	sadd.s32 @!p0 $0x88, s6;
	s7 =	simm.s32 @p2 $0x1082  }
0x22: {  	[simem:s7], [sflag:s8] =	dma.local @!p0 [hbm:s6], $0xF7A  }
0x23: {  	s9 =	sor.u32 $0xD0000000, s2;
	s6 =	simm.s32 $0x108;
	_ =	swait.ge @!p0 [sflag:s8], $0x0  }
0x24: {  	s3 =	sadd.s32 $0x88, s3;
	s6 =	simm.s32 @!p1 $0x1082;
	[sflag:s4] =	ssyncset.s32 $0xFFFFF086  }
0x25: {  	[simem:s6], [sflag:s4] =	dma.local [hbm:s3], $0xF7A  }
0x26: {  	[smem:$0x3F9B] =	sst s1;
	(tag) =	ssettag s2;
	_ =	strace s9  }
0x27: {  	s1 =	sld [smem:$0x3FAB]  }
0x28: {  	s2 =	sld [smem:$0x3FAC]  }
0x29: {  	s4 =	sld [smem:$0x3FAE]  }
0x2a: {  	p0 =	seq.s32 s5, $0x0;
	s5 =	sld [smem:$0x3FAF]  }
0x2b: {  	s6 =	sld [smem:$0x3FB0]  }
0x2c: {  	s7 =	sld [smem:$0x3FB1]  }
0x2d: {  	s3 =	simm.s32 $0x108;
	s8 =	sld [smem:$0x3FB2]  }
0x2e: {  	s3 =	simm.s32 @!p0 $0x1082;
	s9 =	sld [smem:$0x3FB3]  }
0x2f: {  	lr =	sadd.s32 s0, s3;
	s0 =	sld [smem:$0x3FAA]  }
0x30: {  	s3 =	sld [smem:$0x3FAD]  }
0x31: {  	[smem:$0x3FB6] =	sst s10  }
0x32: {  	s10 =	sld [smem:$0x3FB4];
	_ =	sdelay $0x3  }
0x33: {  	p0 =	seq.s32 s10, $0x1;
	s10 =	sld [smem:$0x3FB6];
	_ =	sdelay $0x3  }
0x34: {  	[smem:$0x3FB6] =	sst s10  }
0x35: {  	s10 =	sld [smem:$0x3FB5];
	_ =	sdelay $0x3  }
0x36: {  	p1 =	seq.s32 s10, $0x1;
	s10 =	sld [smem:$0x3FB6];
	_ =	sdelay $0x3  }
0x37: {  	[smem:$0x3FB6] =	sst s10  }
0x38: {  	s10 =	sld [smem:$0x3FB7]  }
0x39: {  	_ = 	snop;
	(pc) =	sbr.ind lr, $3  }
0x3a: {  	_ = 	snop  }
0x3b: {  	_ = 	snop  }
0x3c: {  	p2 =	seq.s32 s10, $0x1;
	s10 =	sld [smem:$0x3FB6]  }
0x3d: {  	_ =	shalt  }
0x3e: {  	_ =	shalt  }
0x3f: {  	_ =	shalt  }
0x40: {  	_ =	shalt  }
0x41: {  	_ =	shalt  }
0x42: {  	_ =	shalt  }
0x43: {  	_ =	shalt  }
0x44: {  	_ =	shalt  }
0x45: {  	_ =	shalt  }
0x46: {  	_ =	shalt  }
0x47: {  	_ =	shalt  }
0x48: {  	_ =	shalt  }
0x49: {  	_ =	shalt  }
0x4a: {  	_ =	shalt  }
0x4b: {  	_ =	shalt  }
0x4c: {  	_ =	shalt  }
0x4d: {  	_ =	shalt  }
0x4e: {  	_ =	shalt  }
0x4f: {  	_ =	shalt  }
0x50: {  	_ =	shalt  }
0x51: {  	_ =	shalt  }
0x52: {  	_ =	shalt  }
0x53: {  	_ =	shalt  }
0x54: {  	_ =	shalt  }
0x55: {  	_ =	shalt  }
0x56: {  	_ =	shalt  }
0x57: {  	_ =	shalt  }
0x58: {  	_ =	shalt  }
0x59: {  	_ =	shalt  }
0x5a: {  	_ =	shalt  }
0x5b: {  	_ =	shalt  }
0x5c: {  	_ =	shalt  }
0x5d: {  	_ =	shalt  }
0x5e: {  	_ =	shalt  }
0x5f: {  	_ =	shalt  }
0x60: {  	_ =	shalt  }
0x61: {  	_ =	shalt  }
0x62: {  	_ =	shalt  }
0x63: {  	_ =	shalt  }
0x64: {  	_ =	shalt  }
0x65: {  	_ =	shalt  }
0x66: {  	_ =	shalt  }
0x67: {  	_ =	shalt  }
0x68: {  	_ =	shalt  }
0x69: {  	_ =	shalt  }
0x6a: {  	_ =	shalt  }
0x6b: {  	_ =	shalt  }
0x6c: {  	_ =	shalt  }
0x6d: {  	_ =	shalt  }
0x6e: {  	_ =	shalt  }
0x6f: {  	_ =	shalt  }
0x70: {  	_ =	shalt  }
0x71: {  	_ =	shalt  }
0x72: {  	_ =	shalt  }
0x73: {  	_ =	shalt  }
0x74: {  	_ =	shalt  }
0x75: {  	_ =	shalt  }
0x76: {  	_ =	shalt  }
0x77: {  	_ =	shalt  }
0x78: {  	_ =	shalt  }
0x79: {  	_ =	shalt  }
0x7a: {  	_ =	shalt  }
0x7b: {  	_ =	shalt  }
0x7c: {  	_ =	shalt  }
0x7d: {  	_ =	shalt  }
0x7e: {  	_ =	shalt  }
0x7f: {  	_ =	shalt  }
0x80: {  	_ =	shalt  }
0x81: {  	_ =	shalt  }
0x82: {  	_ =	shalt  }
0x83: {  	_ =	shalt  }
0x84: {  	_ =	shalt  }
0x85: {  	_ =	shalt  }
0x86: {  	_ =	shalt  }
0x87: {  	_ =	shalt  }
.Lfunc_end0:
.L_simem_size_0:
called_computation_lowered:
.L_overlay_start_0:
0x88: {  	s2 =	sld [smem:$0x3FD9]  }
0x89: {  	s3 =	sld [smem:$0x3FFE];
	_ =	sdelay $0x1  }
0x8a: {  	s1 =	srdreg.scid  }
0x8b: {  	s0 =	sand.u32 $0x1, s1  }
0x8c: {  	s14 =	sshll.u32 s0, $0xA;
	s2 =	sadd.s32 s3, s2  }
0x8d: {  	s2 =	sadd.s32 s2, s14  }
0x8e: {  	[smem:$0x3FC2] =	sst s2  }
0x8f: {  	_ = 	snop  }
0x90: {  	s2 =	sld [smem:$0x3FD0];
	_ =	sdelay $0x2  }
0x91: {  	s15 =	simm.s32 $0xA;
	s4 =	simm.s32 $0x10  }
0x92: {  	[smem:s4], [sflag:s15] =	dma.local [hbm:s2], $0x1  }
0x93: {  	_ =	swait.eq [sflag:s15], $0x1  }
0x94: {  	[sflag:s15] =	ssyncset.done $0x0  }
0x95: {  	[sflag:s15] =	ssyncadd.s32 $0xFFFFFFFF  }
0x96: {  	s16 =	sld [smem:$0x14];
	(tm) =	ssettm $0x1  }
0x97: {  	s17 =	sld [smem:$0x3FFB];
	_ =	sdelay $0x3  }
0x98: {  	_ =	strace s17  }
0x99: {  	s3 =	sld [smem:$0x3FFC];
	_ =	sdelay $0x3  }
0x9a: {  	_ =	strace s3  }
0x9b: {  	s3 =	sld [smem:$0x3FFD];
	_ =	sdelay $0x3  }
0x9c: {  	_ =	strace s3  }
0x9d: {  	_ =	strace $0x8FFFFFFF  }
0x9e: {  	s18 =	sld [smem:$0x3FDB];
	_ =	sdelay $0x1  }
0x9f: {  	s19 =	simm.s32 $_scs_section_size  }
0xa0: {  	s5 =	simm.s32 $_size__tile_overlayer_lowered;
	s6 =	simm.s32 $_tile_overlayer_lowered  }
0xa1: {  	s22 =	simm.s32 $0x1BFF;
	s21 =	sshll.u32 s6, $0x1;
	s3 =	sadd.s32 s19, s18  }
0xa2: {  	s7 =	simm.s32 $0x0;
	s20 =	sshll.u32 s5, $0x1;
	s5 =	sadd.s32 s21, s3  }
0xa3: {  	[timem:s7], [sflag:s22] =	dma.local [hbm:s5], s20  }
0xa4: {  	_ =	swait.ge [sflag:s22], s20  }
0xa5: {  	s4 =	ssub.s32 $0x0, s20;
	[sflag:s22] =	ssyncset.done $0x0  }
0xa6: {  	[sflag:s22] =	ssyncadd.s32 s4;
	_ =	sdelay $0x1  }
0xa7: {  	s23 =	simm.s32 $0x1B8B  }
0xa8: {  	_ =	swait.ge [sflag:s23], $0x1  }
0xa9: {  	[sflag:s23] =	ssyncset.done $0x0  }
0xaa: {  	s25 =	simm.s32 $0x1B8E;
	s24 =	sld [smem:$0x3FFE];
	[sflag:s23] =	ssyncadd.s32 $0xFFFFFFFF  }
0xab: {  	s26 =	simm.s32 $execute0_lowered;
	[smem:$0x3FD2] =	sst s25  }
0xac: {  	s5 =	sshll.u32 s26, $0x1;
	_ =	strace $0x80000046;
	[dreg:$0x1] =	wrdreg $0xFFFFFFFF  }
0xad: {  	s28 =	simm.s32 $_size_execute0_lowered;
	s3 =	sadd.s32 s3, s5;
	[dreg:$0x0] =	wrdreg $0x0  }
0xae: {  	s5 =	sshll.u32 s28, $0x1;
	[dreg:$0x2] =	wrdreg s3  }
0xaf: {  	[dreg:$0x3] =	wrdreg s5  }
0xb0: {  	[dreg:$0x4] =	wrdreg $0xC0  }
0xb1: {  	_ =	task [dreg:s7], $0x5FFFF  }
0xb2: {  	[dreg:$0x1] =	wrdreg $0xFFFFFFFF  }
0xb3: {  	[dreg:$0x0] =	wrdreg $0x60  }
0xb4: {  	[dreg:$0x2] =	wrdreg s24  }
0xb5: {  	[dreg:$0x3] =	wrdreg s16  }
0xb6: {  	[dreg:$0x4] =	wrdreg $0x9  }
0xb7: {  	_ =	task.clear_ibuf [dreg:s7], $0x5FFFF;
	_ =	strace $0x90000046  }
0xb8: {  	s29 =	simm.s32 $0x9;
	_ =	strace $0x80000048  }
0xb9: {  	_ =	swait.ge [sflag:s29], $0x1  }
0xba: {  	[sflag:s29] =	ssyncadd.s32 $0xFFFFFFFF  }
0xbb: {  	_ =	strace $0x90000048  }
0xbc: {  	_ =	sfence  }
0xbd: {  	s30 =	sld [smem:$0x0];
	_ =	sdelay $0x2  }
0xbe: {  	s31 =	sshll.u32 s1, $0xD;
	s1 =	sshrl.u32 s1, $0x2  }
0xbf: {  	s3 =	sand.u32 $0x4000, s31;
	s1 =	sadd.s32 s1, s30  }
0xc0: {  	s0 =	sor.u32 s3, s0;
	s1 =	sshll.u32 s1, $0x11  }
0xc1: {  	s0 =	sor.u32 s1, s0  }
0xc2: {  	s0 =	sadd.s32 $0x8F2B, s0  }
0xc3: {  	[sflag:s0] =	ssyncadd.remote.s32 $0x1  }
0xc4: {  	_ =	sfence.sel $0xFFFF  }
0xc5: {  	[dreg:$0x0] =	wrdreg $0xFFFFFFFF;
	(pc) =	sbr.abs _section_cstart, $3  }
0xc6: {  	[dreg:$0x1] =	wrdreg $0xFFFFFFFF  }
0xc7: {  	_ =	task.clear_ibuf [dreg:s7], $0x2FFFF;
	_ =	strace $0x9FFFFFFF  }
0xc8: {  	(tm) =	ssettm $0x7FFFFFFF  }
0xc9: {  	_ =	shalt  }
tec
execute0_lowered:
.L_overlay_start_1:
0x0: {  	(tag) =	ssettag $0x1  }
0x1: {  	s1 =	srdreg.scid  }
0x2: {  	s8 =	rddreg [dreg:$0x0];
	s0 =	stileid.u32  }
0x3: {  	s3 =	rddreg [dreg:$0x1];
	s2 =	simm.s32 $0x0;
	s6 =	sand.u32 $0x1, s1  }
0x4: {  	s4 =	sshll.u32 s0, $0xA;
	s1 =	rddreg [dreg:$0x2];
	s5 =	sshll.u32 s6, $0x9  }
0x5: {  	s7 =	simm.s32 $0x1;
	[smem:$0x7FF] =	sst s2;
	s9 =	sor.u32 s5, s4  }
0x6: {  	_ =	strace $0x80000047;
	s10 =	ssub.s32 $0x2, s6;
	s4 =	sshrl.u32 s9, $0x3  }
0x7: {  	s6 =	simm.s32 $0x200;
	s4 =	sadd.s32 s3, s4;
	s3 =	simm.s32 $0x2  }
0x8: {  	[tilespmem:s2], [sflag:$0x2] =	stream.linear.gather [hbm4b:s4+s2], $0x200, $0x38;
	[tilespmem:$0x10200] =	vst v63  }
0x9: {  	s5 =	sadd.s32 $0x5B8E400, s8;
	s11 =	sshrl.u32 s10, $0x1;
	_ =	swait.ge [sflag:s3], $0x200  }
0xa: {  	s9 =	sshll.u32 s9, $0x4;
	s31 =	ssub.s32 s10, s11;
	[sflag:s3] =	ssyncset.done $0x0  }
0xb: {  	s8 =	sadd.s32 s9, s8;
	s9 =	smax.u32 s31, $0x1;
	[sflag:s3] =	ssyncadd.s32 $0xFFFFFE00  }
0xc: {  	[tilespmem:s6], [sflag:$0x1] =	stream.indirect.gather [hbm4b:s5+s6], $0x80, s2, s6, $0xb8;
	[tilespmem:$0x10200] =	vst v63  }
0xd: {  	p0 =	sne.s32 s9, $0x1;
	_ =	swait.ge [sflag:s7], $0x10000  }
.Ltmp0:
0xe: {  	[sflag:s7] =	ssyncset.done $0x0;
	(pc) =	sbr.rel @!p0 .LBB2_2-.Ltmp0, $4  }
0xf: {  	s8 =	sadd.s32 $0xC00, s8;
	[sflag:s7] =	ssyncadd.s32 $0xFFFF0000  }
0x10: {  	[hbm4b:s8+s2] =	stream.linear.scatter [tilespmem:s6], [sflag:$0x2], $0x10000, $0x38;
	[tilespmem:$0x10200] =	vst v63  }
0x11: {  	_ =	swait.ge [sflag:s3], $0x10000  }
0x12: {  	s9 =	sadd.s32 $0xFFFFFFFF, s9;
	[sflag:s3] =	ssyncset.done $0x0  }
.LBB2_1:
0x13: {  	p0 =	sne.s32 s9, $0x1;
	s9 =	sadd.s32 $0xFFFFFFFF, s9;
	[sflag:s3] =	ssyncadd.s32 $0xFFFF0000  }
0x14: {  	[tilespmem:s2], [sflag:$0x2] =	stream.linear.gather [hbm4b:s4+s2], $0x200, $0x38;
	[tilespmem:$0x10200] =	vst v63  }
0x15: {  	_ =	swait.ge [sflag:s3], $0x200  }
0x16: {  	[sflag:s3] =	ssyncset.done $0x0  }
0x17: {  	[sflag:s3] =	ssyncadd.s32 $0xFFFFFE00  }
0x18: {  	[tilespmem:s6], [sflag:$0x1] =	stream.indirect.gather [hbm4b:s5+s6], $0x80, s2, s6, $0xb8;
	[tilespmem:$0x10200] =	vst v63  }
0x19: {  	_ =	swait.ge [sflag:s7], $0x10000  }
.Ltmp1:
0x1a: {  	[sflag:s7] =	ssyncset.done $0x0;
	(pc) =	sbr.rel @p0 .LBB2_1-.Ltmp1, $4  }
0x1b: {  	[sflag:s7] =	ssyncadd.s32 $0xFFFF0000  }
0x1c: {  	[hbm4b:s8+s2] =	stream.linear.scatter [tilespmem:s6], [sflag:$0x2], $0x10000, $0x38;
	[tilespmem:$0x10200] =	vst v63  }
0x1d: {  	_ =	swait.ge [sflag:s3], $0x10000  }
0x1e: {  	[sflag:s3] =	ssyncset.done $0x0  }
.LBB2_2:
0x1f: {  	[sflag:s3] =	ssyncadd.s32 $0xFFFF0000  }
0x20: {  	_ =	sfence.sel $0x180000  }
0x21: {  	[bflag:$0x0] =	sbarrier.arrive $0xFFFF  }
0x22: {  	p0 =	sne.s32 s0, $0x0;
	_ =	strace $0x90000047  }
0x23: {  	s0 =	sadd.s32 @!p0 $0x100000, s1;
	[bflag:$0x2] =	sbarrier.arrive $0xFFFF  }
0x24: {  	[sflag:s0] =	ssyncadd.tile.s32 @!p0 $0x1;
	_ =	shalt  }
.Lfunc_end2:
_tile_overlayer_lowered:
.L_overlay_start_2:
0x25: {  	(tag) =	ssettag $0x2  }
0x26: {  	s0 =	rddreg [dreg:$0x0];
	s2 =	stileid.u32  }
0x27: {  	s1 =	rddreg [dreg:$0x1];
	p0 =	sne.s32 s2, $0x0  }
0x28: {  	s3 =	rddreg [dreg:$0x2];
	[bflag:$0x3] =	sbarrier.arrive $0xFFFF;
	s2 =	simm.s32 @!p0 $0x1C02  }
0x29: {  	[timem:s3], [sflag:s2] =	dma.local @!p0 [hbm:s0], s1  }
0x2a: {  	s0 =	simm.s32 @!p0 $0x2  }
0x2b: {  	_ =	swait.ge @!p0 [sflag:s0], s1  }
0x2c: {  	s1 =	ssub.s32 @!p0 $0x0, s1;
	[sflag:s0] =	ssyncset.done @!p0 $0x0  }
0x2d: {  	[sflag:s0] =	ssyncadd.s32 @!p0 s1  }
0x2e: {  	[bflag:$0x3] =	sbarrier.arrive $0xFFFF  }
0x2f: {  	_ =	shalt  }

</sc_bundles>
